<compile_context>
chip_gen: v7x
topology: tpu7x:2x2x1
jax: 0.10.2.dev20260603
libtpu: 0.0.44.dev20260713+nightly
codegen_flags: <defaults>
</compile_context>

<pallas_src>
import functools

import jax
import jax.numpy as jnp
from jax import lax
from jax.experimental import pallas as pl
from jax.experimental.pallas import tpu as pltpu
from jax.experimental.pallas import tpu_sc as plsc

import numpy as np

_NUM_FEATURES = 128
_NUM_PIDS = 100000
_NUM_CQ = 5000
_BATCH = 128
_LUT_BLK = 20000
_NUM_LUT_BLKS = _NUM_PIDS // _LUT_BLK
_GRID = _NUM_LUT_BLKS + 1
_SHIFT = 30.0
_M = 0.1
_C1 = np.float32(30.0 * np.log2(np.e))
_S = np.float32(np.sqrt(np.float64(_C1)))
_C2 = np.float32(_S * np.float32(_M))
_EPS2 = np.float32(_S * np.float32(1e-6))


def _sc_gather(lut, idx):
    mesh = plsc.VectorSubcoreMesh(core_axis_name="c", subcore_axis_name="s")
    rows_per_worker = 8

    @functools.partial(
        pl.kernel,
        out_type=jax.ShapeDtypeStruct((_BATCH, _NUM_FEATURES), jnp.float32),
        mesh=mesh,
        scratch_types=[
            pltpu.VMEM((rows_per_worker,), jnp.int32),
            pltpu.VMEM((rows_per_worker, _NUM_FEATURES), jnp.float32),
            pltpu.SemaphoreType.DMA,
        ],
    )
    def gather_kernel(lut_hbm, idx_hbm, out_hbm, idx_v, rows_v, sem):
        wid = lax.axis_index("s") * 2 + lax.axis_index("c")

        @pl.when(wid < _BATCH // rows_per_worker)
        def _():
            base = wid * rows_per_worker
            pltpu.sync_copy(idx_hbm.at[pl.ds(base, rows_per_worker)], idx_v)
            pltpu.async_copy(lut_hbm.at[idx_v], rows_v, sem).wait()
            pltpu.sync_copy(rows_v, out_hbm.at[pl.ds(base, rows_per_worker)])

    return gather_kernel(lut, idx)


_C3 = np.float32(np.float64(1e-6) * np.float64(_C1) / np.float64(_S))


def _tc_body(
    x_ref, lut_ref, cq_ref, sum_ref, xn_out_ref, acc_ref, xsb_ref
):
    i = pl.program_id(0)

    @pl.when(i == 0)
    def _init():
        x = x_ref[...]
        n = jnp.sqrt(jnp.sum(x * x, axis=1, keepdims=True))
        xn = x / jnp.maximum(n, 1e-12)
        xn_out_ref[...] = xn
        col = lax.broadcasted_iota(jnp.int32, (1, _NUM_FEATURES), 1)
        alt = jnp.where(col % 2 == 0, 1.0, -1.0).astype(jnp.float32)
        probes = jnp.concatenate(
            [jnp.ones((1, _NUM_FEATURES), jnp.float32), alt,
             jnp.zeros((6, _NUM_FEATURES), jnp.float32)], axis=0)
        xsb_ref[...] = jnp.concatenate(
            [xn * _S, probes], axis=0).astype(jnp.bfloat16)
        acc_ref[...] = jnp.zeros_like(acc_ref)

    xsb = xsb_ref[...]
    zero = jnp.float32(0.0)
    t_lut0 = jnp.exp2((zero - _C2) * jnp.maximum(zero + _C2, _EPS2))
    t_cq0 = jnp.exp2(jnp.maximum(zero, _EPS2) * _C3)
    t_bad = np.exp2(-_C1)

    def _lut_partial(tile_ref):
        tile = tile_ref[...].astype(jnp.bfloat16)
        vf = lax.dot_general(
            xsb, tile, (((1,), (1,)), ((), ())),
            preferred_element_type=jnp.float32,
        )
        v2 = vf[0:_BATCH, :]
        bad = (vf[_BATCH:_BATCH + 1, :] == 0.0) & (
            vf[_BATCH + 1:_BATCH + 2, :] == 0.0)
        nb = jnp.sum(jnp.where(bad, 1.0, 0.0))
        e = jnp.exp2((v2 - _C2) * jnp.maximum(v2 + _C2, _EPS2))
        return jnp.sum(e, axis=1, keepdims=True) + nb * (t_bad - t_lut0)

    @pl.when(i < _NUM_LUT_BLKS)
    def _lut_step():
        acc_ref[...] += _lut_partial(lut_ref)

    @pl.when(i == _NUM_LUT_BLKS)
    def _cq_step():
        cqt = cq_ref[...].astype(jnp.bfloat16)
        vf = lax.dot_general(
            xsb, cqt, (((1,), (1,)), ((), ())),
            preferred_element_type=jnp.float32,
        )
        v2 = vf[0:_BATCH, :]
        bad = (vf[_BATCH:_BATCH + 1, :] == 0.0) & (
            vf[_BATCH + 1:_BATCH + 2, :] == 0.0)
        nb = jnp.sum(jnp.where(bad, 1.0, 0.0))
        e = jnp.exp2(jnp.maximum(v2, _EPS2) * _C3)
        sum_ref[...] = (
            acc_ref[...]
            + jnp.sum(e, axis=1, keepdims=True)
            + nb * (t_bad - t_cq0)
        )


def _combine_body(sum_ref, xn_ref, g_ref, label_ref, out_ref):
    g = g_ref[...]
    pos_v = jnp.sum(xn_ref[...] * g, axis=1, keepdims=True)
    bad_pos = jnp.sum(jnp.abs(g), axis=1, keepdims=True) == 0.0
    a_n = pos_v + _M
    a_n = jnp.where(a_n <= 0.0, 1e-6, a_n)
    pv = (pos_v - _M) * a_n
    picked = jnp.where(bad_pos, -(1.0 + _M), pv) * _SHIFT

    lse = jnp.log(sum_ref[...])
    valid = label_ref[...] != _NUM_PIDS
    li = jnp.where(valid, lse - picked, 0.0)
    out_ref[0, 0] = jnp.sum(li) * (1.0 / _BATCH)


@jax.jit
def kernel(inputs, label, ious, lut, cq):
    del ious
    label = label.astype(jnp.int32)
    safe_label = jnp.where(label < _NUM_PIDS, label, 0).astype(jnp.int32)
    g = _sc_gather(lut, safe_label)
    label2d = label.reshape(_BATCH, 1)
    sum_raw, xn = pl.pallas_call(
        _tc_body,
        grid=(_GRID,),
        in_specs=[
            pl.BlockSpec((_BATCH, _NUM_FEATURES), lambda i: (0, 0)),
            pl.BlockSpec(
                (_LUT_BLK, _NUM_FEATURES),
                lambda i: (jnp.minimum(i, _NUM_LUT_BLKS - 1), 0),
            ),
            pl.BlockSpec((_NUM_CQ, _NUM_FEATURES), lambda i: (0, 0)),
        ],
        out_specs=[
            pl.BlockSpec((_BATCH, 1), lambda i: (0, 0)),
            pl.BlockSpec((_BATCH, _NUM_FEATURES), lambda i: (0, 0)),
        ],
        out_shape=[
            jax.ShapeDtypeStruct((_BATCH, 1), jnp.float32),
            jax.ShapeDtypeStruct((_BATCH, _NUM_FEATURES), jnp.float32),
        ],
        scratch_shapes=[
            pltpu.VMEM((_BATCH, 1), jnp.float32),
            pltpu.VMEM((_BATCH + 8, _NUM_FEATURES), jnp.bfloat16),
        ],
    )(inputs.reshape(_BATCH, _NUM_FEATURES), lut, cq)
    out = pl.pallas_call(
        _combine_body,
        out_specs=pl.BlockSpec(memory_space=pltpu.SMEM),
        out_shape=jax.ShapeDtypeStruct((1, 1), jnp.float32),
    )(sum_raw, xn, g, label2d)
    return out[0, 0]

# --- scband reference (transcript-rebuilt; emitter-appended) ---
"""Pipeline reference for scband-circle-loimloss-safe-79654463471716 (READ-ONLY COPY).

The authoritative reference and input builder live on the scoring server;
editing this copy changes nothing except your own understanding.
"""

import jax, jax.numpy as jnp
import numpy as np

NUM_FEATURES = 128
NUM_PIDS = 100000
NUM_CQ = 5000
OIM_SCALAR = 30.0
M = 0.1
O_P = 1.0 + M
O_N = -M
DELTA_P = 1.0 - M
DELTA_N = M
BATCH = 128


def _l2norm(x, axis):
    n = jnp.linalg.norm(x, axis=axis, keepdims=True)
    return x / jnp.maximum(n, 1e-12)


def setup_inputs(seed: int = 0) -> dict:
    key = jax.random.key(seed)
    k1, k2, k3, k4, k5 = jax.random.split(key, 5)
    inputs = jax.random.normal(k1, (BATCH, NUM_FEATURES), dtype=jnp.float32)
    label = jax.random.randint(k2, (BATCH,), 0, NUM_PIDS + 1)
    ious = jax.random.uniform(k3, (BATCH,), dtype=jnp.float32)
    # lut / cq are registered buffers (memory banks). We materialize them as a
    # partially-filled trained bank: most rows L2-normalized, some rows still zero
    # so the bad_lut/bad_cq code paths are exercised.
    lut = _l2norm(jax.random.normal(k4, (NUM_PIDS, NUM_FEATURES), dtype=jnp.float32), 1)
    lut = lut.at[:5000].set(0.0)
    cq = _l2norm(jax.random.normal(k5, (NUM_CQ, NUM_FEATURES), dtype=jnp.float32), 1)
    cq = cq.at[:500].set(0.0)
    return {"inputs": inputs, "label": label, "ious": ious, "lut": lut, "cq": cq}


def reference(inputs, label, ious, lut, cq):
    x = _l2norm(inputs.reshape(-1, NUM_FEATURES), 1)
    # no_grad bookkeeping in the torch code
    bad_lut_mask = jnp.all(lut == 0, axis=1)
    safe_label = jnp.where(label < NUM_PIDS, label, 0)
    # (label.unsqueeze(1) == bad_lut_idx).any(dim=1)  <=>  bad_lut_mask[label] for label < num_pids
    bad_pos_mask = jnp.where(label < NUM_PIDS, bad_lut_mask[safe_label], False)
    bad_cq_mask = jnp.all(cq == 0, axis=1)

    ol = x @ lut.T
    pos_vals = jnp.take_along_axis(ol, safe_label[:, None], axis=1)[:, 0]
    alpha_p = O_P - pos_vals  # only used at bad positive positions
    alpha_p = jnp.where(alpha_p <= 0, 1e-06, alpha_p)
    alpha_n = ol - O_N
    alpha_n = jnp.where(alpha_n <= 0, 1e-06, alpha_n)

    pos_onehot = bad_pos_mask[:, None] & (jnp.arange(NUM_PIDS)[None, :] == safe_label[:, None])
    neg_mask = ~pos_onehot
    # outputs_labeled[negative_mask] -= delta_n; *= alpha_n[negative_mask]
    ol = jnp.where(neg_mask, (ol - DELTA_N) * alpha_n, ol)
    # outputs_labeled[:, bad_lut_mask] = -1
    ol = jnp.where(bad_lut_mask[None, :], -1.0, ol)
    # 'outputs_labeled[bad_pos_idx, bad_label] - self.delta_p' is a no-op statement in torch.
    # outputs_labeled[bad_pos_idx, bad_label] *= alpha_p
    ol = jnp.where(pos_onehot, ol * alpha_p[:, None], ol)
    # 'outputs_labeled[...][zero_mask] = 1' writes into a copy in torch -> no-op; omitted.

    ou = x @ cq.T
    # 'alpha_n2 = outputs_unlabeled[outputs_unlabeled <= 0] = 1e-06' is chained assignment:
    # nonpositive entries set to 1e-6 AND alpha_n2 == scalar 1e-6; then ou *= 1e-6.
    ou = jnp.where(ou <= 0, 1e-06, ou)
    ou = ou * 1e-06
    ou = jnp.where(bad_cq_mask[None, :], -1.0, ou)

    projected = jnp.concatenate([ol, ou], axis=1) * OIM_SCALAR
    logp = jax.nn.log_softmax(projected, axis=1)
    picked = jnp.take_along_axis(logp, safe_label[:, None], axis=1)[:, 0]
    valid = label != NUM_PIDS  # ignore_index = num_pids
    li = jnp.where(valid, -picked, 0.0)
    loss = (li / li.shape[0]).sum()
    # Buffer EMA / circular-queue scatter update only runs when ious.mean() < 0.2
    # (uniform ious have mean ~0.5, so the branch is not taken), is under no_grad,
    # and does not affect the returned loss -> omitted.
    return loss

if __name__ == "__main__":
    import jax
    _d = setup_inputs()
    print(jax.jit(kernel)(*tuple(_d.values())))

</pallas_src>

<mosaic_0001>
#map = affine_map<(d0, d1) -> (0, 0)>
#map1 = affine_map<(d0, d1) -> (0)>
module attributes {stable_mosaic.version = 14 : i64} {
  func.func @gather_kernel(%arg0: i32, %arg1: i32, %arg2: memref<100000x128xf32, #tpu.memory_space<hbm>>, %arg3: memref<128xi32, #tpu.memory_space<hbm>>, %arg4: memref<128x128xf32, #tpu.memory_space<hbm>>, %arg5: memref<8xi32, #tpu.memory_space<vmem>>, %arg6: memref<8x128xf32, #tpu.memory_space<vmem>>, %arg7: memref<!tpu.dma_semaphore, #tpu.memory_space<semaphore_mem>>) attributes {dimension_semantics = [#tpu.dimension_semantics<core_parallel>, #tpu.dimension_semantics<subcore_parallel>], iteration_bounds = array<i64: 2, 16>, scalar_prefetch = 0 : i64, scratch_operands = 3 : i64, tpu.core_type = #tpu.core_type<sc_vector_subcore>, window_params = [{transform_indices = #map}, {transform_indices = #map1}, {transform_indices = #map}]} {
    %mul3A = arith.constant 2 : i32
    %mul3A_0 = arith.muli %arg1, %mul3A : i32
    %add3A = arith.addi %mul3A_0, %arg0 : i32
    %lt3A = arith.constant 16 : i32
    %lt3A_1 = arith.cmpi slt, %add3A, %lt3A : i32
    %convert_element_type3A = arith.extui %lt3A_1 : i1 to i32
    %cond3A = arith.constant 0 : i32
    %cond3A_2 = arith.cmpi ne, %convert_element_type3A, %cond3A : i32
    scf.if %cond3A_2 {
      %mul3A_3 = arith.constant 8 : i32
      %mul3A_4 = arith.muli %add3A, %mul3A_3 : i32
      "tpu.region"() ({
        %run_scoped3A = tpu.sem_alloc : memref<!tpu.dma_semaphore, #tpu.memory_space<semaphore_mem>>
        %dma_start3A_9 = tpu.memref_slice %arg3[%mul3A_4] : memref<128xi32, #tpu.memory_space<hbm>> -> memref<8xi32, #tpu.memory_space<hbm>>
        %dma_start3A_10 = tpu.memref_slice %arg3[%mul3A_4] : memref<128xi32, #tpu.memory_space<hbm>> -> memref<8xi32, #tpu.memory_space<hbm>>
        tpu.enqueue_dma source(%dma_start3A_10 : memref<8xi32, #tpu.memory_space<hbm>>) target(%arg5 : memref<8xi32, #tpu.memory_space<vmem>>) target_semaphore(%run_scoped3A : memref<!tpu.dma_semaphore, #tpu.memory_space<semaphore_mem>>)
        %dma_wait3A_11 = tpu.memref_slice %arg3[%mul3A_4] : memref<128xi32, #tpu.memory_space<hbm>> -> memref<8xi32, #tpu.memory_space<hbm>>
        %dma_wait3A_12 = tpu.memref_slice %arg3[%mul3A_4] : memref<128xi32, #tpu.memory_space<hbm>> -> memref<8xi32, #tpu.memory_space<hbm>>
        tpu.wait_dma2 semaphore(%run_scoped3A : memref<!tpu.dma_semaphore, #tpu.memory_space<semaphore_mem>>) src(%dma_wait3A_12 : memref<8xi32, #tpu.memory_space<hbm>>) dst(%arg5 : memref<8xi32, #tpu.memory_space<vmem>>)
        tpu.yield
      }) : () -> ()
      %dma_start3A = arith.constant 0 : i32
      %dma_start3A_5 = arith.constant 0 : i32
      %dma_start3A_6 = tpu.memref_slice %arg2[%dma_start3A, %dma_start3A_5] : memref<100000x128xf32, #tpu.memory_space<hbm>> -> memref<100000x128xf32, #tpu.memory_space<hbm>>
      tpu.enqueue_indirect_dma source(%dma_start3A_6 : memref<100000x128xf32, #tpu.memory_space<hbm>>) target(%arg6 : memref<8x128xf32, #tpu.memory_space<vmem>>) offsets(%arg5 : memref<8xi32, #tpu.memory_space<vmem>>) semaphore(%arg7 : memref<!tpu.dma_semaphore, #tpu.memory_space<semaphore_mem>>)
      %dma_wait3A = arith.constant 0 : i32
      %dma_wait3A_7 = arith.constant 0 : i32
      %dma_wait3A_8 = tpu.memref_slice %arg2[%dma_wait3A, %dma_wait3A_7] : memref<100000x128xf32, #tpu.memory_space<hbm>> -> memref<100000x128xf32, #tpu.memory_space<hbm>>
      tpu.wait_indirect_dma semaphore(%arg7 : memref<!tpu.dma_semaphore, #tpu.memory_space<semaphore_mem>>) src(%dma_wait3A_8 : memref<100000x128xf32, #tpu.memory_space<hbm>>) dst(%arg6 : memref<8x128xf32, #tpu.memory_space<vmem>>)
      "tpu.region"() ({
        %run_scoped3A = tpu.sem_alloc : memref<!tpu.dma_semaphore, #tpu.memory_space<semaphore_mem>>
        %dma_start3A_9 = arith.constant 0 : i32
        %dma_start3A_10 = tpu.memref_slice %arg4[%mul3A_4, %dma_start3A_9] : memref<128x128xf32, #tpu.memory_space<hbm>> -> memref<8x128xf32, #tpu.memory_space<hbm>>
        %dma_start3A_11 = arith.constant 0 : i32
        %dma_start3A_12 = tpu.memref_slice %arg4[%mul3A_4, %dma_start3A_11] : memref<128x128xf32, #tpu.memory_space<hbm>> -> memref<8x128xf32, #tpu.memory_space<hbm>>
        tpu.enqueue_dma source(%arg6 : memref<8x128xf32, #tpu.memory_space<vmem>>) target(%dma_start3A_12 : memref<8x128xf32, #tpu.memory_space<hbm>>) target_semaphore(%run_scoped3A : memref<!tpu.dma_semaphore, #tpu.memory_space<semaphore_mem>>)
        %dma_wait3A_13 = arith.constant 0 : i32
        %dma_wait3A_14 = tpu.memref_slice %arg4[%mul3A_4, %dma_wait3A_13] : memref<128x128xf32, #tpu.memory_space<hbm>> -> memref<8x128xf32, #tpu.memory_space<hbm>>
        %dma_wait3A_15 = arith.constant 0 : i32
        %dma_wait3A_16 = tpu.memref_slice %arg4[%mul3A_4, %dma_wait3A_15] : memref<128x128xf32, #tpu.memory_space<hbm>> -> memref<8x128xf32, #tpu.memory_space<hbm>>
        tpu.wait_dma2 semaphore(%run_scoped3A : memref<!tpu.dma_semaphore, #tpu.memory_space<semaphore_mem>>) src(%arg6 : memref<8x128xf32, #tpu.memory_space<vmem>>) dst(%dma_wait3A_16 : memref<8x128xf32, #tpu.memory_space<hbm>>)
        tpu.yield
      }) : () -> ()
    } else {
    }
    return
  }
}

module attributes {stable_mosaic.version = 14 : i64} {
  func.func @_combine_body(%arg0: memref<128x1xf32, #tpu.memory_space<vmem>>, %arg1: memref<128x128xf32, #tpu.memory_space<vmem>>, %arg2: memref<128x128xf32, #tpu.memory_space<vmem>>, %arg3: memref<128x1xi32, #tpu.memory_space<vmem>>, %arg4: memref<1x1xf32, #tpu.memory_space<smem>>) attributes {dimension_semantics = [], scalar_prefetch = 0 : i64, scratch_operands = 0 : i64, tpu.core_type = #tpu.core_type<tc>} {
    %get3A = arith.constant 0 : index
    %get3A_0 = arith.constant 0 : index
    %get3A_1 = vector.load %arg2[%get3A, %get3A_0] : memref<128x128xf32, #tpu.memory_space<vmem>>, vector<128x128xf32>
    %get3A_2 = arith.constant 0 : index
    %get3A_3 = arith.constant 0 : index
    %get3A_4 = vector.load %arg1[%get3A_2, %get3A_3] : memref<128x128xf32, #tpu.memory_space<vmem>>, vector<128x128xf32>
    %mul3A = arith.mulf %get3A_4, %get3A_1 : vector<128x128xf32>
    %reduce_sum3A = arith.constant dense<0.000000e+00> : vector<128xf32>
    %reduce_sum3A_5 = vector.multi_reduction <add>, %mul3A, %reduce_sum3A [1] : vector<128x128xf32> to vector<128xf32>
    %broadcast_in_dim3A = vector.shape_cast %reduce_sum3A_5 : vector<128xf32> to vector<128x1xf32>
    %abs3A = math.absf %get3A_1 : vector<128x128xf32>
    %reduce_sum3A_6 = arith.constant dense<0.000000e+00> : vector<128xf32>
    %reduce_sum3A_7 = vector.multi_reduction <add>, %abs3A, %reduce_sum3A_6 [1] : vector<128x128xf32> to vector<128xf32>
    %broadcast_in_dim3A_8 = vector.shape_cast %reduce_sum3A_7 : vector<128xf32> to vector<128x1xf32>
    %eq3A = arith.constant 0.000000e+00 : f32
    %eq3A_9 = vector.broadcast %eq3A : f32 to vector<128x1xf32>
    %eq3A_10 = arith.cmpf oeq, %broadcast_in_dim3A_8, %eq3A_9 : vector<128x1xf32>
    %add3A = arith.constant 1.000000e-01 : f32
    %add3A_11 = vector.broadcast %add3A : f32 to vector<128x1xf32>
    %add3A_12 = arith.addf %broadcast_in_dim3A, %add3A_11 : vector<128x1xf32>
    %le3A = arith.constant 0.000000e+00 : f32
    %le3A_13 = vector.broadcast %le3A : f32 to vector<128x1xf32>
    %le3A_14 = arith.cmpf ole, %add3A_12, %le3A_13 : vector<128x1xf32>
    %jit3A = arith.constant 9.99999997E-7 : f32
    %broadcast_in_dim3A_15 = vector.broadcast %jit3A : f32 to vector<128x1xf32>
    %select_n3A = arith.select %le3A_14, %broadcast_in_dim3A_15, %add3A_12 : vector<128x1xi1>, vector<128x1xf32>
    %sub3A = arith.constant 1.000000e-01 : f32
    %sub3A_16 = vector.broadcast %sub3A : f32 to vector<128x1xf32>
    %sub3A_17 = arith.subf %broadcast_in_dim3A, %sub3A_16 : vector<128x1xf32>
    %mul3A_18 = arith.mulf %sub3A_17, %select_n3A : vector<128x1xf32>
    %jit3A_19 = arith.constant -1.100000e+00 : f32
    %broadcast_in_dim3A_20 = vector.broadcast %jit3A_19 : f32 to vector<128x1xf32>
    %select_n3A_21 = arith.select %eq3A_10, %broadcast_in_dim3A_20, %mul3A_18 : vector<128x1xi1>, vector<128x1xf32>
    %mul3A_22 = arith.constant 3.000000e+01 : f32
    %mul3A_23 = vector.broadcast %mul3A_22 : f32 to vector<128x1xf32>
    %mul3A_24 = arith.mulf %select_n3A_21, %mul3A_23 : vector<128x1xf32>
    %get3A_25 = arith.constant 0 : index
    %get3A_26 = arith.constant 0 : index
    %get3A_27 = vector.load %arg0[%get3A_25, %get3A_26] : memref<128x1xf32, #tpu.memory_space<vmem>>, vector<128x1xf32>
    %log3A = math.log %get3A_27 : vector<128x1xf32>
    %get3A_28 = arith.constant 0 : index
    %get3A_29 = arith.constant 0 : index
    %get3A_30 = vector.load %arg3[%get3A_28, %get3A_29] : memref<128x1xi32, #tpu.memory_space<vmem>>, vector<128x1xi32>
    %ne3A = arith.constant 100000 : i32
    %ne3A_31 = vector.broadcast %ne3A : i32 to vector<128x1xi32>
    %ne3A_32 = arith.cmpi ne, %get3A_30, %ne3A_31 : vector<128x1xi32>
    %sub3A_33 = arith.subf %log3A, %mul3A_24 : vector<128x1xf32>
    %jit3A_34 = arith.constant 0.000000e+00 : f32
    %broadcast_in_dim3A_35 = vector.broadcast %jit3A_34 : f32 to vector<128x1xf32>
    %select_n3A_36 = arith.select %ne3A_32, %sub3A_33, %broadcast_in_dim3A_35 : vector<128x1xi1>, vector<128x1xf32>
    %reduce_sum3A_37 = vector.shape_cast %select_n3A_36 : vector<128x1xf32> to vector<1x128x1xf32>
    %reduce_sum3A_38 = arith.constant dense<0.000000e+00> : vector<1xf32>
    %reduce_sum3A_39 = vector.multi_reduction <add>, %reduce_sum3A_37, %reduce_sum3A_38 [1, 2] : vector<1x128x1xf32> to vector<1xf32>
    %reduce_sum3A_40 = vector.shape_cast %reduce_sum3A_39 : vector<1xf32> to vector<1x1x1xf32>
    %reduce_sum3A_41 = vector.extract %reduce_sum3A_40[0, 0, 0] : f32 from vector<1x1x1xf32>
    %mul3A_42 = arith.constant 7.812500e-03 : f32
    %mul3A_43 = arith.mulf %reduce_sum3A_41, %mul3A_42 : f32
    %swap3A = arith.constant 0 : index
    %swap3A_44 = arith.constant 0 : index
    %swap3A_45 = memref.load %arg4[%swap3A, %swap3A_44] : memref<1x1xf32, #tpu.memory_space<smem>>
    memref.store %mul3A_43, %arg4[%swap3A, %swap3A_44] : memref<1x1xf32, #tpu.memory_space<smem>>
    return
  }
}

module attributes {stable_mosaic.version = 14 : i64} {
  func.func @_tc_body(%arg0: i32, %arg1: memref<128x128xf32, #tpu.memory_space<vmem>>, %arg2: memref<20000x128xf32, #tpu.memory_space<vmem>>, %arg3: memref<5000x128xf32, #tpu.memory_space<vmem>>, %arg4: memref<128x1xf32, #tpu.memory_space<vmem>>, %arg5: memref<128x128xf32, #tpu.memory_space<vmem>>, %arg6: memref<128x1xf32, #tpu.memory_space<vmem>>, %arg7: memref<136x128xbf16, #tpu.memory_space<vmem>>) attributes {dimension_semantics = [#tpu.dimension_semantics<arbitrary>], iteration_bounds = array<i64: 6>, scalar_prefetch = 0 : i64, scratch_operands = 2 : i64, tpu.core_type = #tpu.core_type<tc>, window_params = [{pipeline_mode = #tpu.pipeline_mode<synchronous>, transform_indices = @transform_0, window_bounds = array<i64: 128, 128>}, {transform_indices = @transform_1, window_bounds = array<i64: 20000, 128>}, {pipeline_mode = #tpu.pipeline_mode<synchronous>, transform_indices = @transform_2, window_bounds = array<i64: 5000, 128>}, {pipeline_mode = #tpu.pipeline_mode<synchronous>, transform_indices = @transform_3, window_bounds = array<i64: 128, 1>}, {pipeline_mode = #tpu.pipeline_mode<synchronous>, transform_indices = @transform_4, window_bounds = array<i64: 128, 128>}]} {
    %eq3A = arith.constant 0 : i32
    %eq3A_0 = arith.cmpi eq, %arg0, %eq3A : i32
    %convert_element_type3A = arith.extui %eq3A_0 : i1 to i32
    %cond3A = arith.constant 0 : i32
    %cond3A_1 = arith.cmpi ne, %convert_element_type3A, %cond3A : i32
    scf.if %cond3A_1 {
      %get3A_24 = arith.constant 0 : index
      %get3A_25 = arith.constant 0 : index
      %get3A_26 = vector.load %arg1[%get3A_24, %get3A_25] : memref<128x128xf32, #tpu.memory_space<vmem>>, vector<128x128xf32>
      %mul3A_27 = arith.mulf %get3A_26, %get3A_26 : vector<128x128xf32>
      %reduce_sum3A = arith.constant dense<0.000000e+00> : vector<128xf32>
      %reduce_sum3A_28 = vector.multi_reduction <add>, %mul3A_27, %reduce_sum3A [1] : vector<128x128xf32> to vector<128xf32>
      %broadcast_in_dim3A = vector.shape_cast %reduce_sum3A_28 : vector<128xf32> to vector<128x1xf32>
      %sqrt3A = math.sqrt %broadcast_in_dim3A : vector<128x1xf32>
      %max3A_29 = arith.constant 9.99999996E-13 : f32
      %max3A_30 = vector.broadcast %max3A_29 : f32 to vector<128x1xf32>
      %max3A_31 = arith.maximumf %sqrt3A, %max3A_30 : vector<128x1xf32>
      %div3A = vector.broadcast %max3A_31 : vector<128x1xf32> to vector<128x128xf32>
      %div3A_32 = arith.divf %get3A_26, %div3A : vector<128x128xf32>
      %swap3A = arith.constant 0 : index
      %swap3A_33 = arith.constant 0 : index
      %swap3A_34 = vector.load %arg5[%swap3A, %swap3A_33] : memref<128x128xf32, #tpu.memory_space<vmem>>, vector<128x128xf32>
      tpu.vector_store %arg5[%swap3A, %swap3A_33], %div3A_32 {strides = array<i32>} : memref<128x128xf32, #tpu.memory_space<vmem>>, vector<128x128xf32>,
      %iota3A = tpu.iota {dimensions = array<i32: 1>} : vector<1x128xi32>
      %jit3A = arith.constant 2 : i32
      %eq3A_35 = arith.constant 0 : i32
      %eq3A_36 = arith.cmpi eq, %jit3A, %eq3A_35 : i32
      %jit3A_37 = arith.constant 1 : i32
      %select_n3A = arith.select %eq3A_36, %jit3A_37, %jit3A : i32
      %rem3A = vector.broadcast %select_n3A : i32 to vector<1x128xi32>
      %rem3A_38 = arith.remsi %iota3A, %rem3A : vector<1x128xi32>
      %ne3A = arith.constant 0 : i32
      %ne3A_39 = vector.broadcast %ne3A : i32 to vector<1x128xi32>
      %ne3A_40 = arith.cmpi ne, %rem3A_38, %ne3A_39 : vector<1x128xi32>
      %lt3A_41 = arith.constant 0 : i32
      %lt3A_42 = vector.broadcast %lt3A_41 : i32 to vector<1x128xi32>
      %lt3A_43 = arith.cmpi slt, %rem3A_38, %lt3A_42 : vector<1x128xi32>
      %lt3A_44 = arith.constant 0 : i32
      %lt3A_45 = arith.cmpi slt, %select_n3A, %lt3A_44 : i32
      %ne3A_46 = vector.broadcast %lt3A_45 : i1 to vector<1x128xi1>
      %ne3A_47 = vector.broadcast %ne3A_46 : vector<1x128xi1> to vector<1x128xi1>
      %ne3A_48 = arith.xori %lt3A_43, %ne3A_47 : vector<1x128xi1>
      %and3A = arith.andi %ne3A_48, %ne3A_40 : vector<1x128xi1>
      %add3A_49 = vector.broadcast %select_n3A : i32 to vector<1x128xi32>
      %add3A_50 = arith.addi %rem3A_38, %add3A_49 : vector<1x128xi32>
      %select_n3A_51 = arith.select %and3A, %add3A_50, %rem3A_38 : vector<1x128xi1>, vector<1x128xi32>
      %eq3A_52 = arith.constant 0 : i32
      %eq3A_53 = vector.broadcast %eq3A_52 : i32 to vector<1x128xi32>
      %eq3A_54 = arith.cmpi eq, %select_n3A_51, %eq3A_53 : vector<1x128xi32>
      %jit3A_55 = arith.constant 1.000000e+00 : f32
      %jit3A_56 = arith.constant -1.000000e+00 : f32
      %broadcast_in_dim3A_57 = vector.broadcast %jit3A_55 : f32 to vector<1x128xf32>
      %broadcast_in_dim3A_58 = vector.broadcast %jit3A_56 : f32 to vector<1x128xf32>
      %select_n3A_59 = arith.select %eq3A_54, %broadcast_in_dim3A_57, %broadcast_in_dim3A_58 : vector<1x128xi1>, vector<1x128xf32>
      %broadcast_in_dim3A_60 = arith.constant 1.000000e+00 : f32
      %broadcast_in_dim3A_61 = vector.broadcast %broadcast_in_dim3A_60 : f32 to vector<1x128xf32>
      %broadcast_in_dim3A_62 = arith.constant 0.000000e+00 : f32
      %broadcast_in_dim3A_63 = vector.broadcast %broadcast_in_dim3A_62 : f32 to vector<6x128xf32>
      %concatenate3A = tpu.concatenate %broadcast_in_dim3A_61, %select_n3A_59, %broadcast_in_dim3A_63 in 0 : vector<1x128xf32>, vector<1x128xf32>, vector<6x128xf32> -> vector<8x128xf32>
      %mul3A_64 = arith.constant 6.57881832 : f32
      %mul3A_65 = vector.broadcast %mul3A_64 : f32 to vector<128x128xf32>
      %mul3A_66 = arith.mulf %div3A_32, %mul3A_65 : vector<128x128xf32>
      %concatenate3A_67 = tpu.concatenate %mul3A_66, %concatenate3A in 0 : vector<128x128xf32>, vector<8x128xf32> -> vector<136x128xf32>
      %convert_element_type3A_68 = arith.truncf %concatenate3A_67 : vector<136x128xf32> to vector<136x128xbf16>
      %swap3A_69 = arith.constant 0 : index
      %swap3A_70 = arith.constant 0 : index
      %swap3A_71 = vector.load %arg7[%swap3A_69, %swap3A_70] : memref<136x128xbf16, #tpu.memory_space<vmem>>, vector<136x128xbf16>
      tpu.vector_store %arg7[%swap3A_69, %swap3A_70], %convert_element_type3A_68 {strides = array<i32>} : memref<136x128xbf16, #tpu.memory_space<vmem>>, vector<136x128xbf16>,
      %broadcast_in_dim3A_72 = arith.constant 0.000000e+00 : f32
      %broadcast_in_dim3A_73 = vector.broadcast %broadcast_in_dim3A_72 : f32 to vector<128x1xf32>
      %swap3A_74 = arith.constant 0 : index
      %swap3A_75 = arith.constant 0 : index
      %swap3A_76 = vector.load %arg6[%swap3A_74, %swap3A_75] : memref<128x1xf32, #tpu.memory_space<vmem>>, vector<128x1xf32>
      tpu.vector_store %arg6[%swap3A_74, %swap3A_75], %broadcast_in_dim3A_73 {strides = array<i32>} : memref<128x1xf32, #tpu.memory_space<vmem>>, vector<128x1xf32>,
    } else {
    }
    %get3A = arith.constant 0 : index
    %get3A_2 = arith.constant 0 : index
    %get3A_3 = vector.load %arg7[%get3A, %get3A_2] : memref<136x128xbf16, #tpu.memory_space<vmem>>, vector<136x128xbf16>
    %sub3A = arith.constant 0.000000e+00 : f32
    %sub3A_4 = arith.constant 0.657881856 : f32
    %sub3A_5 = arith.subf %sub3A, %sub3A_4 : f32
    %add3A = arith.constant 0.000000e+00 : f32
    %add3A_6 = arith.constant 0.657881856 : f32
    %add3A_7 = arith.addf %add3A, %add3A_6 : f32
    %max3A = arith.constant 6.5788181E-6 : f32
    %max3A_8 = arith.maximumf %add3A_7, %max3A : f32
    %mul3A = arith.mulf %sub3A_5, %max3A_8 : f32
    %exp23A = math.exp2 %mul3A : f32
    %max3A_9 = arith.constant 0.000000e+00 : f32
    %max3A_10 = arith.constant 6.5788181E-6 : f32
    %max3A_11 = arith.maximumf %max3A_9, %max3A_10 : f32
    %mul3A_12 = arith.constant 6.5788181E-6 : f32
    %mul3A_13 = arith.mulf %max3A_11, %mul3A_12 : f32
    %exp23A_14 = math.exp2 %mul3A_13 : f32
    %lt3A = arith.constant 5 : i32
    %lt3A_15 = arith.cmpi slt, %arg0, %lt3A : i32
    %convert_element_type3A_16 = arith.extui %lt3A_15 : i1 to i32
    %cond3A_17 = arith.constant 0 : i32
    %cond3A_18 = arith.cmpi ne, %convert_element_type3A_16, %cond3A_17 : i32
    scf.if %cond3A_18 {
      %get3A_24 = arith.constant 0 : index
      %get3A_25 = arith.constant 0 : index
      %get3A_26 = vector.load %arg6[%get3A_24, %get3A_25] : memref<128x1xf32, #tpu.memory_space<vmem>>, vector<128x1xf32>
      %get3A_27 = arith.constant 0 : index
      %get3A_28 = arith.constant 0 : index
      %get3A_29 = vector.load %arg2[%get3A_27, %get3A_28] : memref<20000x128xf32, #tpu.memory_space<vmem>>, vector<20000x128xf32>
      %convert_element_type3A_30 = arith.truncf %get3A_29 : vector<20000x128xf32> to vector<20000x128xbf16>
      %dot_general3A = arith.constant dense<0.000000e+00> : vector<136x20000xf32>
      %dot_general3A_31 = tpu.matmul %get3A_3, %convert_element_type3A_30, %dot_general3A {dimension_numbers = #tpu.dot_dimension_numbers<[1], [1], [0], [0], [0, 0, 1, 0], [], []>, transpose_lhs_hint = false} : vector<136x128xbf16>, vector<20000x128xbf16>, vector<136x20000xf32> -> vector<136x20000xf32>
      %slice3A = vector.extract_strided_slice %dot_general3A_31 {offsets = [0, 0], sizes = [128, 20000], strides = [1, 1]} : vector<136x20000xf32> to vector<128x20000xf32>
      %slice3A_32 = vector.extract_strided_slice %dot_general3A_31 {offsets = [128, 0], sizes = [1, 20000], strides = [1, 1]} : vector<136x20000xf32> to vector<1x20000xf32>
      %eq3A_33 = arith.constant 0.000000e+00 : f32
      %eq3A_34 = vector.broadcast %eq3A_33 : f32 to vector<1x20000xf32>
      %eq3A_35 = arith.cmpf oeq, %slice3A_32, %eq3A_34 : vector<1x20000xf32>
      %slice3A_36 = vector.extract_strided_slice %dot_general3A_31 {offsets = [129, 0], sizes = [1, 20000], strides = [1, 1]} : vector<136x20000xf32> to vector<1x20000xf32>
      %eq3A_37 = arith.constant 0.000000e+00 : f32
      %eq3A_38 = vector.broadcast %eq3A_37 : f32 to vector<1x20000xf32>
      %eq3A_39 = arith.cmpf oeq, %slice3A_36, %eq3A_38 : vector<1x20000xf32>
      %and3A = arith.andi %eq3A_35, %eq3A_39 : vector<1x20000xi1>
      %jit3A = arith.constant 1.000000e+00 : f32
      %jit3A_40 = arith.constant 0.000000e+00 : f32
      %broadcast_in_dim3A = vector.broadcast %jit3A : f32 to vector<1x20000xf32>
      %broadcast_in_dim3A_41 = vector.broadcast %jit3A_40 : f32 to vector<1x20000xf32>
      %select_n3A = arith.select %and3A, %broadcast_in_dim3A, %broadcast_in_dim3A_41 : vector<1x20000xi1>, vector<1x20000xf32>
      %reduce_sum3A = vector.shape_cast %select_n3A : vector<1x20000xf32> to vector<1x1x20000xf32>
      %reduce_sum3A_42 = arith.constant dense<0.000000e+00> : vector<1xf32>
      %reduce_sum3A_43 = vector.multi_reduction <add>, %reduce_sum3A, %reduce_sum3A_42 [1, 2] : vector<1x1x20000xf32> to vector<1xf32>
      %reduce_sum3A_44 = vector.shape_cast %reduce_sum3A_43 : vector<1xf32> to vector<1x1x1xf32>
      %reduce_sum3A_45 = vector.extract %reduce_sum3A_44[0, 0, 0] : f32 from vector<1x1x1xf32>
      %sub3A_46 = arith.constant 0.657881856 : f32
      %sub3A_47 = vector.broadcast %sub3A_46 : f32 to vector<128x20000xf32>
      %sub3A_48 = arith.subf %slice3A, %sub3A_47 : vector<128x20000xf32>
      %add3A_49 = arith.constant 0.657881856 : f32
      %add3A_50 = vector.broadcast %add3A_49 : f32 to vector<128x20000xf32>
      %add3A_51 = arith.addf %slice3A, %add3A_50 : vector<128x20000xf32>
      %max3A_52 = arith.constant 6.5788181E-6 : f32
      %max3A_53 = vector.broadcast %max3A_52 : f32 to vector<128x20000xf32>
      %max3A_54 = arith.maximumf %add3A_51, %max3A_53 : vector<128x20000xf32>
      %mul3A_55 = arith.mulf %sub3A_48, %max3A_54 : vector<128x20000xf32>
      %exp23A_56 = math.exp2 %mul3A_55 : vector<128x20000xf32>
      %reduce_sum3A_57 = arith.constant dense<0.000000e+00> : vector<128xf32>
      %reduce_sum3A_58 = vector.multi_reduction <add>, %exp23A_56, %reduce_sum3A_57 [1] : vector<128x20000xf32> to vector<128xf32>
      %broadcast_in_dim3A_59 = vector.shape_cast %reduce_sum3A_58 : vector<128xf32> to vector<128x1xf32>
      %sub3A_60 = arith.constant 9.35763443E-14 : f32
      %sub3A_61 = arith.subf %sub3A_60, %exp23A : f32
      %mul3A_62 = arith.mulf %reduce_sum3A_45, %sub3A_61 : f32
      %add3A_63 = vector.broadcast %mul3A_62 : f32 to vector<128x1xf32>
      %add3A_64 = arith.addf %broadcast_in_dim3A_59, %add3A_63 : vector<128x1xf32>
      %add3A_65 = arith.addf %get3A_26, %add3A_64 : vector<128x1xf32>
      %swap3A = arith.constant 0 : index
      %swap3A_66 = arith.constant 0 : index
      %swap3A_67 = vector.load %arg6[%swap3A, %swap3A_66] : memref<128x1xf32, #tpu.memory_space<vmem>>, vector<128x1xf32>
      tpu.vector_store %arg6[%swap3A, %swap3A_66], %add3A_65 {strides = array<i32>} : memref<128x1xf32, #tpu.memory_space<vmem>>, vector<128x1xf32>,
    } else {
    }
    %eq3A_19 = arith.constant 5 : i32
    %eq3A_20 = arith.cmpi eq, %arg0, %eq3A_19 : i32
    %convert_element_type3A_21 = arith.extui %eq3A_20 : i1 to i32
    %cond3A_22 = arith.constant 0 : i32
    %cond3A_23 = arith.cmpi ne, %convert_element_type3A_21, %cond3A_22 : i32
    scf.if %cond3A_23 {
      %get3A_24 = arith.constant 0 : index
      %get3A_25 = arith.constant 0 : index
      %get3A_26 = vector.load %arg3[%get3A_24, %get3A_25] : memref<5000x128xf32, #tpu.memory_space<vmem>>, vector<5000x128xf32>
      %convert_element_type3A_27 = arith.truncf %get3A_26 : vector<5000x128xf32> to vector<5000x128xbf16>
      %dot_general3A = arith.constant dense<0.000000e+00> : vector<136x5000xf32>
      %dot_general3A_28 = tpu.matmul %get3A_3, %convert_element_type3A_27, %dot_general3A {dimension_numbers = #tpu.dot_dimension_numbers<[1], [1], [0], [0], [0, 0, 1, 0], [], []>, transpose_lhs_hint = false} : vector<136x128xbf16>, vector<5000x128xbf16>, vector<136x5000xf32> -> vector<136x5000xf32>
      %slice3A = vector.extract_strided_slice %dot_general3A_28 {offsets = [0, 0], sizes = [128, 5000], strides = [1, 1]} : vector<136x5000xf32> to vector<128x5000xf32>
      %slice3A_29 = vector.extract_strided_slice %dot_general3A_28 {offsets = [128, 0], sizes = [1, 5000], strides = [1, 1]} : vector<136x5000xf32> to vector<1x5000xf32>
      %eq3A_30 = arith.constant 0.000000e+00 : f32
      %eq3A_31 = vector.broadcast %eq3A_30 : f32 to vector<1x5000xf32>
      %eq3A_32 = arith.cmpf oeq, %slice3A_29, %eq3A_31 : vector<1x5000xf32>
      %slice3A_33 = vector.extract_strided_slice %dot_general3A_28 {offsets = [129, 0], sizes = [1, 5000], strides = [1, 1]} : vector<136x5000xf32> to vector<1x5000xf32>
      %eq3A_34 = arith.constant 0.000000e+00 : f32
      %eq3A_35 = vector.broadcast %eq3A_34 : f32 to vector<1x5000xf32>
      %eq3A_36 = arith.cmpf oeq, %slice3A_33, %eq3A_35 : vector<1x5000xf32>
      %and3A = arith.andi %eq3A_32, %eq3A_36 : vector<1x5000xi1>
      %jit3A = arith.constant 1.000000e+00 : f32
      %jit3A_37 = arith.constant 0.000000e+00 : f32
      %broadcast_in_dim3A = vector.broadcast %jit3A : f32 to vector<1x5000xf32>
      %broadcast_in_dim3A_38 = vector.broadcast %jit3A_37 : f32 to vector<1x5000xf32>
      %select_n3A = arith.select %and3A, %broadcast_in_dim3A, %broadcast_in_dim3A_38 : vector<1x5000xi1>, vector<1x5000xf32>
      %reduce_sum3A = vector.shape_cast %select_n3A : vector<1x5000xf32> to vector<1x1x5000xf32>
      %reduce_sum3A_39 = arith.constant dense<0.000000e+00> : vector<1xf32>
      %reduce_sum3A_40 = vector.multi_reduction <add>, %reduce_sum3A, %reduce_sum3A_39 [1, 2] : vector<1x1x5000xf32> to vector<1xf32>
      %reduce_sum3A_41 = vector.shape_cast %reduce_sum3A_40 : vector<1xf32> to vector<1x1x1xf32>
      %reduce_sum3A_42 = vector.extract %reduce_sum3A_41[0, 0, 0] : f32 from vector<1x1x1xf32>
      %max3A_43 = arith.constant 6.5788181E-6 : f32
      %max3A_44 = vector.broadcast %max3A_43 : f32 to vector<128x5000xf32>
      %max3A_45 = arith.maximumf %slice3A, %max3A_44 : vector<128x5000xf32>
      %mul3A_46 = arith.constant 6.5788181E-6 : f32
      %mul3A_47 = vector.broadcast %mul3A_46 : f32 to vector<128x5000xf32>
      %mul3A_48 = arith.mulf %max3A_45, %mul3A_47 : vector<128x5000xf32>
      %exp23A_49 = math.exp2 %mul3A_48 : vector<128x5000xf32>
      %get3A_50 = arith.constant 0 : index
      %get3A_51 = arith.constant 0 : index
      %get3A_52 = vector.load %arg6[%get3A_50, %get3A_51] : memref<128x1xf32, #tpu.memory_space<vmem>>, vector<128x1xf32>
      %reduce_sum3A_53 = arith.constant dense<0.000000e+00> : vector<128xf32>
      %reduce_sum3A_54 = vector.multi_reduction <add>, %exp23A_49, %reduce_sum3A_53 [1] : vector<128x5000xf32> to vector<128xf32>
      %broadcast_in_dim3A_55 = vector.shape_cast %reduce_sum3A_54 : vector<128xf32> to vector<128x1xf32>
      %add3A_56 = arith.addf %get3A_52, %broadcast_in_dim3A_55 : vector<128x1xf32>
      %sub3A_57 = arith.constant 9.35763443E-14 : f32
      %sub3A_58 = arith.subf %sub3A_57, %exp23A_14 : f32
      %mul3A_59 = arith.mulf %reduce_sum3A_42, %sub3A_58 : f32
      %add3A_60 = vector.broadcast %mul3A_59 : f32 to vector<128x1xf32>
      %add3A_61 = arith.addf %add3A_56, %add3A_60 : vector<128x1xf32>
      %swap3A = arith.constant 0 : index
      %swap3A_62 = arith.constant 0 : index
      %swap3A_63 = vector.load %arg4[%swap3A, %swap3A_62] : memref<128x1xf32, #tpu.memory_space<vmem>>, vector<128x1xf32>
      tpu.vector_store %arg4[%swap3A, %swap3A_62], %add3A_61 {strides = array<i32>} : memref<128x1xf32, #tpu.memory_space<vmem>>, vector<128x1xf32>,
    } else {
    }
    return
  }
  func.func @transform_0(%arg0: i32) -> (i32, i32) {
    %c0_i32 = arith.constant 0 : i32
    %c0_i32_0 = arith.constant 0 : i32
    %c0_i32_1 = arith.constant 0 : i32
    return %c0_i32, %c0_i32_0 : i32, i32
  }
  func.func @transform_1(%arg0: i32) -> (i32, i32) {
    %min3A = arith.constant 4 : i32
    %min3A_0 = arith.minsi %arg0, %min3A : i32
    %c0_i32 = arith.constant 0 : i32
    %c0_i32_1 = arith.constant 0 : i32
    return %min3A_0, %c0_i32 : i32, i32
  }
  func.func @transform_2(%arg0: i32) -> (i32, i32) {
    %c0_i32 = arith.constant 0 : i32
    %c0_i32_0 = arith.constant 0 : i32
    %c0_i32_1 = arith.constant 0 : i32
    return %c0_i32, %c0_i32_0 : i32, i32
  }
  func.func @transform_3(%arg0: i32) -> (i32, i32) {
    %c0_i32 = arith.constant 0 : i32
    %c0_i32_0 = arith.constant 0 : i32
    %c0_i32_1 = arith.constant 0 : i32
    return %c0_i32, %c0_i32_0 : i32, i32
  }
  func.func @transform_4(%arg0: i32) -> (i32, i32) {
    %c0_i32 = arith.constant 0 : i32
    %c0_i32_0 = arith.constant 0 : i32
    %c0_i32_1 = arith.constant 0 : i32
    return %c0_i32, %c0_i32_0 : i32, i32
  }
}

</mosaic_0001>

<sc_bundles>
// kernel: kernel.5.cloned.1.call-start
scs
__scs_entry_jumppad:
0x0: {  	(pc) =	sbr.rel $0x88, $3  }
0x1: {  	(tag) =	ssettag $0x0;
	lr =	simm.s32 $0x1  }
0x2: {  	[smem:$0x3F9D] =	sst lr;
	_ =	strace $0xD0000000  }
0x3: {  	_ = 	snop  }
0x4: {  	_ = 	snop  }
0x5: {  	_ = 	snop  }
0x6: {  	_ = 	snop  }
0x7: {  	_ = 	snop  }
__scs_overlays_trampoline_lowered:
0x8: {  	[smem:$0x3FAC] =	sst s0  }
0x9: {  	[smem:$0x3FAD] =	sst s1  }
0xa: {  	[smem:$0x3FAE] =	sst s2  }
0xb: {  	[smem:$0x3FAF] =	sst s3  }
0xc: {  	[smem:$0x3FB0] =	sst s4  }
0xd: {  	[smem:$0x3FB1] =	sst s5  }
0xe: {  	[smem:$0x3FB2] =	sst s6  }
0xf: {  	[smem:$0x3FB3] =	sst s7  }
0x10: {  	[smem:$0x3FB4] =	sst s8  }
0x11: {  	[smem:$0x3FB5] =	sst s9;
	s0 =	simm.s32 @!p0 $0x0  }
0x12: {  	s1 =	sld [smem:$0x3F9B];
	s0 =	simm.s32 @p0 $0x1  }
0x13: {  	[smem:$0x3FB6] =	sst s0;
	s0 =	simm.s32 @!p1 $0x0  }
0x14: {  	s2 =	sld [smem:$0x3F9A];
	s0 =	simm.s32 @p1 $0x1  }
0x15: {  	[smem:$0x3FB7] =	sst s0;
	s0 =	simm.s32 @!p2 $0x0  }
0x16: {  	s3 =	sld [smem:$0x3FDB];
	s0 =	simm.s32 @p2 $0x1  }
0x17: {  	s4 =	simm.s32 $0x1BF5;
	[smem:$0x3FB9] =	sst s0  }
0x18: {  	s0 =	sld [smem:$0x3F9C];
	_ =	swait.ge [sflag:s4], $0x0  }
0x19: {  	s7 =	sld [smem:$0x3F9D]  }
0x1a: {  	s8 =	sadd.s32 $0xFFFFE003, lr  }
0x1b: {  	s9 =	sadd.s32 $0xFFFFFEF7, lr;
	s5 =	simm.s32 $0xFFFFFFFF;
	p2 =	slt.u32 s8, $0xFFFFF086  }
0x1c: {  	p1 =	slt.u32 s9, $0xF7A;
	s5 =	simm.s32 @!p2 $0x0  }
0x1d: {  	s5 =	simm.s32 @p1 $0x1;
	p0 =	seq.s32 s7, s2  }
0x1e: {  	s7 =	smul.u32 @!p0 $0xF7A, s2;
	p2 =	seq.s32 @!p0 s5, $0x0  }
0x1f: {  	s9 =	smul.u32 $0xF7A, s1;
	s8 =	simm.s32 @!p0 $0x1BF5;
	p2 =	por !p2, p0  }
0x20: {  	[sflag:s8] =	ssyncset.s32 @!p0 $0xFFFFF086;
	s6 =	sadd.s32 @!p0 s3, s7;
	s7 =	simm.s32 @!p0 $0x108  }
0x21: {  	s3 =	sadd.s32 s3, s9;
	s6 =	sadd.s32 @!p0 $0x88, s6;
	s7 =	simm.s32 @p2 $0x1082  }
0x22: {  	[simem:s7], [sflag:s8] =	dma.local @!p0 [hbm:s6], $0xF7A  }
0x23: {  	s9 =	sor.u32 $0xD0000000, s2;
	s6 =	simm.s32 $0x108;
	_ =	swait.ge @!p0 [sflag:s8], $0x0  }
0x24: {  	s3 =	sadd.s32 $0x88, s3;
	s6 =	simm.s32 @!p1 $0x1082;
	[sflag:s4] =	ssyncset.s32 $0xFFFFF086  }
0x25: {  	[simem:s6], [sflag:s4] =	dma.local [hbm:s3], $0xF7A  }
0x26: {  	[smem:$0x3F9D] =	sst s1;
	(tag) =	ssettag s2;
	_ =	strace s9  }
0x27: {  	s1 =	sld [smem:$0x3FAD]  }
0x28: {  	s2 =	sld [smem:$0x3FAE]  }
0x29: {  	s4 =	sld [smem:$0x3FB0]  }
0x2a: {  	p0 =	seq.s32 s5, $0x0;
	s5 =	sld [smem:$0x3FB1]  }
0x2b: {  	s6 =	sld [smem:$0x3FB2]  }
0x2c: {  	s7 =	sld [smem:$0x3FB3]  }
0x2d: {  	s3 =	simm.s32 $0x108;
	s8 =	sld [smem:$0x3FB4]  }
0x2e: {  	s3 =	simm.s32 @!p0 $0x1082;
	s9 =	sld [smem:$0x3FB5]  }
0x2f: {  	lr =	sadd.s32 s0, s3;
	s0 =	sld [smem:$0x3FAC]  }
0x30: {  	s3 =	sld [smem:$0x3FAF]  }
0x31: {  	[smem:$0x3FB8] =	sst s10  }
0x32: {  	s10 =	sld [smem:$0x3FB6];
	_ =	sdelay $0x3  }
0x33: {  	p0 =	seq.s32 s10, $0x1;
	s10 =	sld [smem:$0x3FB8];
	_ =	sdelay $0x3  }
0x34: {  	[smem:$0x3FB8] =	sst s10  }
0x35: {  	s10 =	sld [smem:$0x3FB7];
	_ =	sdelay $0x3  }
0x36: {  	p1 =	seq.s32 s10, $0x1;
	s10 =	sld [smem:$0x3FB8];
	_ =	sdelay $0x3  }
0x37: {  	[smem:$0x3FB8] =	sst s10  }
0x38: {  	s10 =	sld [smem:$0x3FB9]  }
0x39: {  	_ = 	snop;
	(pc) =	sbr.ind lr, $3  }
0x3a: {  	_ = 	snop  }
0x3b: {  	_ = 	snop  }
0x3c: {  	p2 =	seq.s32 s10, $0x1;
	s10 =	sld [smem:$0x3FB8]  }
0x3d: {  	_ =	shalt  }
0x3e: {  	_ =	shalt  }
0x3f: {  	_ =	shalt  }
0x40: {  	_ =	shalt  }
0x41: {  	_ =	shalt  }
0x42: {  	_ =	shalt  }
0x43: {  	_ =	shalt  }
0x44: {  	_ =	shalt  }
0x45: {  	_ =	shalt  }
0x46: {  	_ =	shalt  }
0x47: {  	_ =	shalt  }
0x48: {  	_ =	shalt  }
0x49: {  	_ =	shalt  }
0x4a: {  	_ =	shalt  }
0x4b: {  	_ =	shalt  }
0x4c: {  	_ =	shalt  }
0x4d: {  	_ =	shalt  }
0x4e: {  	_ =	shalt  }
0x4f: {  	_ =	shalt  }
0x50: {  	_ =	shalt  }
0x51: {  	_ =	shalt  }
0x52: {  	_ =	shalt  }
0x53: {  	_ =	shalt  }
0x54: {  	_ =	shalt  }
0x55: {  	_ =	shalt  }
0x56: {  	_ =	shalt  }
0x57: {  	_ =	shalt  }
0x58: {  	_ =	shalt  }
0x59: {  	_ =	shalt  }
0x5a: {  	_ =	shalt  }
0x5b: {  	_ =	shalt  }
0x5c: {  	_ =	shalt  }
0x5d: {  	_ =	shalt  }
0x5e: {  	_ =	shalt  }
0x5f: {  	_ =	shalt  }
0x60: {  	_ =	shalt  }
0x61: {  	_ =	shalt  }
0x62: {  	_ =	shalt  }
0x63: {  	_ =	shalt  }
0x64: {  	_ =	shalt  }
0x65: {  	_ =	shalt  }
0x66: {  	_ =	shalt  }
0x67: {  	_ =	shalt  }
0x68: {  	_ =	shalt  }
0x69: {  	_ =	shalt  }
0x6a: {  	_ =	shalt  }
0x6b: {  	_ =	shalt  }
0x6c: {  	_ =	shalt  }
0x6d: {  	_ =	shalt  }
0x6e: {  	_ =	shalt  }
0x6f: {  	_ =	shalt  }
0x70: {  	_ =	shalt  }
0x71: {  	_ =	shalt  }
0x72: {  	_ =	shalt  }
0x73: {  	_ =	shalt  }
0x74: {  	_ =	shalt  }
0x75: {  	_ =	shalt  }
0x76: {  	_ =	shalt  }
0x77: {  	_ =	shalt  }
0x78: {  	_ =	shalt  }
0x79: {  	_ =	shalt  }
0x7a: {  	_ =	shalt  }
0x7b: {  	_ =	shalt  }
0x7c: {  	_ =	shalt  }
0x7d: {  	_ =	shalt  }
0x7e: {  	_ =	shalt  }
0x7f: {  	_ =	shalt  }
0x80: {  	_ =	shalt  }
0x81: {  	_ =	shalt  }
0x82: {  	_ =	shalt  }
0x83: {  	_ =	shalt  }
0x84: {  	_ =	shalt  }
0x85: {  	_ =	shalt  }
0x86: {  	_ =	shalt  }
0x87: {  	_ =	shalt  }
.Lfunc_end0:
.L_simem_size_0:
called_computation_lowered:
.L_overlay_start_0:
0x88: {  	s2 =	sld [smem:$0x3FD9]  }
0x89: {  	s3 =	sld [smem:$0x3FFE];
	_ =	sdelay $0x1  }
0x8a: {  	s1 =	srdreg.scid  }
0x8b: {  	s0 =	sand.u32 $0x1, s1  }
0x8c: {  	s17 =	sshll.u32 s0, $0xA;
	s2 =	sadd.s32 s3, s2  }
0x8d: {  	s2 =	sadd.s32 s2, s17  }
0x8e: {  	[smem:$0x3FC4] =	sst s2  }
0x8f: {  	_ = 	snop  }
0x90: {  	s2 =	sld [smem:$0x3FC7]  }
0x91: {  	s18 =	sld [smem:$0x3FD0];
	(tm) =	ssettm $0x1  }
0x92: {  	s4 =	sld [smem:$0x3FFB];
	_ =	sdelay $0x3  }
0x93: {  	_ =	strace s4  }
0x94: {  	s4 =	sld [smem:$0x3FFC];
	_ =	sdelay $0x3  }
0x95: {  	_ =	strace s4  }
0x96: {  	s4 =	sld [smem:$0x3FFD];
	_ =	sdelay $0x3  }
0x97: {  	_ =	strace s4  }
0x98: {  	_ =	strace $0x8FFFFFFF  }
0x99: {  	s19 =	sld [smem:$0x3FDB];
	_ =	sdelay $0x1  }
0x9a: {  	s5 =	simm.s32 $_scs_section_size  }
0x9b: {  	s6 =	simm.s32 $_size__tile_overlayer_lowered;
	s7 =	simm.s32 $_tile_overlayer_lowered  }
0x9c: {  	s22 =	simm.s32 $0x1BFF;
	s21 =	sshll.u32 s7, $0x1;
	s4 =	sadd.s32 s5, s19  }
0x9d: {  	s8 =	simm.s32 $0x0;
	s20 =	sshll.u32 s6, $0x1;
	s6 =	sadd.s32 s21, s4  }
0x9e: {  	[timem:s8], [sflag:s22] =	dma.local [hbm:s6], s20  }
0x9f: {  	_ =	swait.ge [sflag:s22], s20  }
0xa0: {  	s5 =	ssub.s32 $0x0, s20;
	[sflag:s22] =	ssyncset.done $0x0  }
0xa1: {  	[sflag:s22] =	ssyncadd.s32 s5;
	_ =	sdelay $0x1  }
0xa2: {  	s23 =	simm.s32 $0x1B8B  }
0xa3: {  	_ =	swait.ge [sflag:s23], $0x1  }
0xa4: {  	[sflag:s23] =	ssyncset.done $0x0  }
0xa5: {  	s25 =	simm.s32 $0x1B8E;
	s24 =	sld [smem:$0x3FFE];
	[sflag:s23] =	ssyncadd.s32 $0xFFFFFFFF  }
0xa6: {  	s26 =	simm.s32 $execute0_lowered;
	[smem:$0x3FD2] =	sst s25  }
0xa7: {  	s6 =	sshll.u32 s26, $0x1;
	_ =	strace $0x80000046;
	[dreg:$0x1] =	wrdreg $0xFFFFFFFF  }
0xa8: {  	s28 =	simm.s32 $_size_execute0_lowered;
	s4 =	sadd.s32 s4, s6;
	[dreg:$0x0] =	wrdreg $0x0  }
0xa9: {  	s6 =	sshll.u32 s28, $0x1;
	[dreg:$0x2] =	wrdreg s4  }
0xaa: {  	[dreg:$0x3] =	wrdreg s6  }
0xab: {  	[dreg:$0x4] =	wrdreg $0xC0  }
0xac: {  	_ =	task [dreg:s8], $0x5FFFF  }
0xad: {  	[dreg:$0x1] =	wrdreg $0xFFFFFFFF  }
0xae: {  	[dreg:$0x0] =	wrdreg $0x60  }
0xaf: {  	[dreg:$0x2] =	wrdreg s2  }
0xb0: {  	[dreg:$0x3] =	wrdreg s18  }
0xb1: {  	[dreg:$0x4] =	wrdreg s24  }
0xb2: {  	[dreg:$0x5] =	wrdreg $0x9  }
0xb3: {  	_ =	task.clear_ibuf [dreg:s8], $0x6FFFF;
	_ =	strace $0x90000046  }
0xb4: {  	s29 =	simm.s32 $0x9;
	_ =	strace $0x80000048  }
0xb5: {  	_ =	swait.ge [sflag:s29], $0x1  }
0xb6: {  	[sflag:s29] =	ssyncadd.s32 $0xFFFFFFFF  }
0xb7: {  	_ =	strace $0x90000048  }
0xb8: {  	_ =	sfence  }
0xb9: {  	s30 =	sld [smem:$0x0];
	_ =	sdelay $0x2  }
0xba: {  	s31 =	sshll.u32 s1, $0xD;
	s1 =	sshrl.u32 s1, $0x2  }
0xbb: {  	s3 =	sand.u32 $0x4000, s31;
	s1 =	sadd.s32 s1, s30  }
0xbc: {  	s0 =	sor.u32 s3, s0;
	s1 =	sshll.u32 s1, $0x11  }
0xbd: {  	s0 =	sor.u32 s1, s0  }
0xbe: {  	s0 =	sadd.s32 $0x8F2B, s0  }
0xbf: {  	[sflag:s0] =	ssyncadd.remote.s32 $0x1  }
0xc0: {  	_ =	sfence.sel $0xFFFF  }
0xc1: {  	[dreg:$0x0] =	wrdreg $0xFFFFFFFF;
	(pc) =	sbr.abs _section_cstart, $3  }
0xc2: {  	[dreg:$0x1] =	wrdreg $0xFFFFFFFF  }
0xc3: {  	_ =	task.clear_ibuf [dreg:s8], $0x2FFFF;
	_ =	strace $0x9FFFFFFF  }
0xc4: {  	(tm) =	ssettm $0x7FFFFFFF  }
0xc5: {  	_ =	shalt  }
tec
execute0_lowered:
.L_overlay_start_1:
0x0: {  	(tag) =	ssettag $0x1  }
0x1: {  	s1 =	stileid.u32  }
0x2: {  	p0 =	sgt.u32 s1, $0x7  }
.Ltmp0:
0x3: {  	s2 =	rddreg [dreg:$0x0];
	(pc) =	sbr.rel @p0 .LBB2_4-.Ltmp0, $4  }
0x4: {  	s4 =	rddreg [dreg:$0x1]  }
0x5: {  	s9 =	rddreg [dreg:$0x2];
	s3 =	simm.s32 $0x0  }
0x6: {  	[smem:$0x7FF] =	sst s3  }
0x7: {  	s0 =	rddreg [dreg:$0x3];
	_ =	strace $0x80000047  }
0x8: {  	s5 =	srdreg.scid  }
0x9: {  	s30 =	sshll.u32 s1, $0x1;
	s6 =	sand.u32 $0x1, s5  }
0xa: {  	s7 =	simm.s32 $0x80;
	s8 =	simm.s32 $0x1;
	s10 =	sor.u32 s6, s30  }
0xb: {  	s11 =	ssub.s32 $0x2, s6;
	s5 =	sadd.s32 s4, s10;
	s4 =	simm.s32 $0x2  }
0xc: {  	[tilespmem:s3], [sflag:$0x2] =	stream.linear.gather [hbm4b:s5+s3], $0x8, $0x38;
	[tilespmem:$0x480] =	vst v63  }
0xd: {  	s6 =	simm.s32 $0x8;
	s12 =	sshrl.u32 s11, $0x1;
	_ =	swait.ge [sflag:s4], $0x8  }
0xe: {  	s10 =	sshll.u32 s10, $0x7;
	s31 =	ssub.s32 s11, s12;
	[sflag:s4] =	ssyncset.done $0x0  }
0xf: {  	s9 =	sadd.s32 s10, s9;
	s10 =	smax.u32 s31, $0x1;
	[sflag:s4] =	ssyncadd.s32 $0xFFFFFFF8  }
0x10: {  	[tilespmem:s7], [sflag:$0x1] =	stream.indirect.gather [hbm4b:s2+s6], $0x80, s3, s6, $0xb8;
	[tilespmem:$0x480] =	vst v63  }
0x11: {  	p0 =	sne.s32 s10, $0x1;
	_ =	swait.ge [sflag:s8], $0x400  }
.Ltmp1:
0x12: {  	[sflag:s8] =	ssyncset.done $0x0;
	(pc) =	sbr.rel @!p0 .LBB2_3-.Ltmp1, $4  }
0x13: {  	s9 =	sadd.s32 $0xE00, s9;
	[sflag:s8] =	ssyncadd.s32 $0xFFFFFC00  }
0x14: {  	[hbm4b:s9+s3] =	stream.linear.scatter [tilespmem:s7], [sflag:$0x2], $0x400, $0x38;
	[tilespmem:$0x480] =	vst v63  }
0x15: {  	_ =	swait.ge [sflag:s4], $0x400  }
0x16: {  	s10 =	sadd.s32 $0xFFFFFFFF, s10;
	[sflag:s4] =	ssyncset.done $0x0  }
.LBB2_2:
0x17: {  	p0 =	sne.s32 s10, $0x1;
	s10 =	sadd.s32 $0xFFFFFFFF, s10;
	[sflag:s4] =	ssyncadd.s32 $0xFFFFFC00  }
0x18: {  	[tilespmem:s3], [sflag:$0x2] =	stream.linear.gather [hbm4b:s5+s3], $0x8, $0x38;
	[tilespmem:$0x480] =	vst v63  }
0x19: {  	_ =	swait.ge [sflag:s4], $0x8  }
0x1a: {  	[sflag:s4] =	ssyncset.done $0x0  }
0x1b: {  	[sflag:s4] =	ssyncadd.s32 $0xFFFFFFF8  }
0x1c: {  	[tilespmem:s7], [sflag:$0x1] =	stream.indirect.gather [hbm4b:s2+s6], $0x80, s3, s6, $0xb8;
	[tilespmem:$0x480] =	vst v63  }
0x1d: {  	_ =	swait.ge [sflag:s8], $0x400  }
.Ltmp2:
0x1e: {  	[sflag:s8] =	ssyncset.done $0x0;
	(pc) =	sbr.rel @p0 .LBB2_2-.Ltmp2, $4  }
0x1f: {  	[sflag:s8] =	ssyncadd.s32 $0xFFFFFC00  }
0x20: {  	[hbm4b:s9+s3] =	stream.linear.scatter [tilespmem:s7], [sflag:$0x2], $0x400, $0x38;
	[tilespmem:$0x480] =	vst v63  }
0x21: {  	_ =	swait.ge [sflag:s4], $0x400  }
0x22: {  	[sflag:s4] =	ssyncset.done $0x0  }
.LBB2_3:
0x23: {  	[sflag:s4] =	ssyncadd.s32 $0xFFFFFC00  }
.LBB2_4:
0x24: {  	_ =	sfence.sel $0x180000  }
0x25: {  	[bflag:$0x0] =	sbarrier.arrive $0xFFFF  }
0x26: {  	p0 =	sne.s32 s1, $0x0;
	_ =	strace $0x90000047  }
0x27: {  	s0 =	sadd.s32 @!p0 $0x100000, s0;
	[bflag:$0x2] =	sbarrier.arrive $0xFFFF  }
0x28: {  	[sflag:s0] =	ssyncadd.tile.s32 @!p0 $0x1;
	_ =	shalt  }
.Lfunc_end2:
_tile_overlayer_lowered:
.L_overlay_start_2:
0x29: {  	(tag) =	ssettag $0x2  }
0x2a: {  	s0 =	rddreg [dreg:$0x0];
	s2 =	stileid.u32  }
0x2b: {  	s1 =	rddreg [dreg:$0x1];
	p0 =	sne.s32 s2, $0x0  }
0x2c: {  	s3 =	rddreg [dreg:$0x2];
	[bflag:$0x3] =	sbarrier.arrive $0xFFFF;
	s2 =	simm.s32 @!p0 $0x1C02  }
0x2d: {  	[timem:s3], [sflag:s2] =	dma.local @!p0 [hbm:s0], s1  }
0x2e: {  	s0 =	simm.s32 @!p0 $0x2  }
0x2f: {  	_ =	swait.ge @!p0 [sflag:s0], s1  }
0x30: {  	s1 =	ssub.s32 @!p0 $0x0, s1;
	[sflag:s0] =	ssyncset.done @!p0 $0x0  }
0x31: {  	[sflag:s0] =	ssyncadd.s32 @!p0 s1  }
0x32: {  	[bflag:$0x3] =	sbarrier.arrive $0xFFFF  }
0x33: {  	_ =	shalt  }

</sc_bundles>
